<compile_context>
chip_gen: v7x
topology: tpu7x:2x2x1
jax: 0.10.2.dev20260603
libtpu: 0.0.44.dev20260713+nightly
codegen_flags: <defaults>
</compile_context>

<pallas_src>
import jax
import jax.numpy as jnp
from jax import lax
from jax.experimental import pallas as pl
from jax.experimental.pallas import tpu as pltpu
from jax.experimental.pallas import tpu_sc as plsc

B = 16384
C = 1000
NC = 2
NS = 16
NW = NC * NS
PW = B // NW
NB = PW // 128
L = 16


def _body(flat, y3, out3, yv, res, sem):
    wid = lax.axis_index("s") * NC + lax.axis_index("c")

    pltpu.sync_copy(y3.at[wid], yv)

    iota = lax.iota(jnp.int32, L)
    copies = []
    for c in range(NB):
        blk = (wid * NB + c) * 1024

        def _cvt(k, carry, c=c, blk=blk):
            s = pl.multiple_of(k * L, L)
            yvec = yv[c, pl.ds(s, L)]
            idx = (
                lax.shift_right_logical(yvec, 3) * 131072
                + (yvec & 7) * 128
                + (blk + k * L)
                + iota
            )
            yv[c, pl.ds(s, L)] = idx
            return carry

        lax.fori_loop(0, 128 // L, _cvt, 0, unroll=False)
        for h in range(2):
            copies.append(
                pltpu.async_copy(
                    flat.at[yv.at[c, pl.ds(h * 64, 64)]],
                    res.at[c, pl.ds(h * 64, 64)],
                    sem,
                )
            )
    for cp in copies:
        cp.wait()

    pltpu.sync_copy(res, out3.at[wid])


@jax.jit
def kernel(logits, y):
    flat = (
        logits.T.reshape(C // 8, 8, B // 128, 128)
        .transpose(0, 2, 1, 3)
        .reshape(-1)
    )
    y3 = y.astype(jnp.int32).reshape(NW, NB, 128)

    mesh = plsc.VectorSubcoreMesh(core_axis_name="c", subcore_axis_name="s")
    out3 = pl.kernel(
        _body,
        out_type=jax.ShapeDtypeStruct((NW, NB, 128), jnp.float32),
        mesh=mesh,
        compiler_params=pltpu.CompilerParams(needs_layout_passes=False),
        scratch_types=[
            pltpu.VMEM((NB, 128), jnp.int32),
            pltpu.VMEM((NB, 128), jnp.float32),
            pltpu.SemaphoreType.DMA,
        ],
    )(flat, y3)
    return out3.reshape(-1)

# --- scband reference (transcript-rebuilt; emitter-appended) ---
"""Pipeline reference for scband-identity-loss-68839735820988 (READ-ONLY COPY).

The authoritative reference and input builder live on the scoring server;
editing this copy changes nothing except your own understanding.
"""

import jax, jax.numpy as jnp
import numpy as np

def setup_inputs(seed: int = 0) -> dict:
    key = jax.random.key(seed)
    k1, k2 = jax.random.split(key)
    logits = jax.random.normal(k1, (16384, 1000), dtype=jnp.float32)
    y = jax.random.randint(k2, (16384,), 0, 1000, dtype=jnp.int64 if jax.config.jax_enable_x64 else jnp.int32)
    return {"logits": logits, "y": y}

def reference(logits, y):
    # IdentityLoss.forward: logits.gather(1, y.view(-1,1)).flatten()
    gathered = jnp.take_along_axis(logits, y.reshape(-1, 1), axis=1)
    return gathered.reshape(-1)

if __name__ == "__main__":
    import jax
    _d = setup_inputs()
    print(jax.jit(kernel)(*tuple(_d.values())))

</pallas_src>

<mosaic_0001>
#map = affine_map<(d0, d1) -> (0)>
#map1 = affine_map<(d0, d1) -> (0, 0, 0)>
module attributes {stable_mosaic.version = 14 : i64} {
  func.func @_body(%arg0: i32, %arg1: i32, %arg2: memref<16384000xf32, #tpu.memory_space<hbm>>, %arg3: memref<32x4x128xi32, #tpu.memory_space<hbm>>, %arg4: memref<32x4x128xf32, #tpu.memory_space<hbm>>, %arg5: memref<4x128xi32, #tpu.memory_space<vmem>>, %arg6: memref<4x128xf32, #tpu.memory_space<vmem>>, %arg7: memref<!tpu.dma_semaphore, #tpu.memory_space<semaphore_mem>>) attributes {dimension_semantics = [#tpu.dimension_semantics<core_parallel>, #tpu.dimension_semantics<subcore_parallel>], iteration_bounds = array<i64: 2, 16>, scalar_prefetch = 0 : i64, scratch_operands = 3 : i64, tpu.core_type = #tpu.core_type<sc_vector_subcore>, window_params = [{transform_indices = #map}, {transform_indices = #map1}, {transform_indices = #map1}]} {
    %mul3A = arith.constant 2 : i32
    %mul3A_0 = arith.muli %arg1, %mul3A : i32
    %add3A = arith.addi %mul3A_0, %arg0 : i32
    "tpu.region"() ({
      %run_scoped3A = tpu.sem_alloc : memref<!tpu.dma_semaphore, #tpu.memory_space<semaphore_mem>>
      %dma_start3A_206 = arith.constant 0 : i32
      %dma_start3A_207 = arith.constant 0 : i32
      %dma_start3A_208 = tpu.memref_slice %arg3[%add3A, %dma_start3A_206, %dma_start3A_207] : memref<32x4x128xi32, #tpu.memory_space<hbm>> -> memref<1x4x128xi32, #tpu.memory_space<hbm>>
      %dma_start3A_209 = tpu.memref_squeeze %dma_start3A_208 : memref<1x4x128xi32, #tpu.memory_space<hbm>> -> memref<4x128xi32, #tpu.memory_space<hbm>>
      %dma_start3A_210 = arith.constant 0 : i32
      %dma_start3A_211 = arith.constant 0 : i32
      %dma_start3A_212 = tpu.memref_slice %arg3[%add3A, %dma_start3A_210, %dma_start3A_211] : memref<32x4x128xi32, #tpu.memory_space<hbm>> -> memref<1x4x128xi32, #tpu.memory_space<hbm>>
      %dma_start3A_213 = tpu.memref_squeeze %dma_start3A_212 : memref<1x4x128xi32, #tpu.memory_space<hbm>> -> memref<4x128xi32, #tpu.memory_space<hbm>>
      tpu.enqueue_dma source(%dma_start3A_213 : memref<4x128xi32, #tpu.memory_space<hbm>>) target(%arg5 : memref<4x128xi32, #tpu.memory_space<vmem>>) target_semaphore(%run_scoped3A : memref<!tpu.dma_semaphore, #tpu.memory_space<semaphore_mem>>)
      %dma_wait3A_214 = arith.constant 0 : i32
      %dma_wait3A_215 = arith.constant 0 : i32
      %dma_wait3A_216 = tpu.memref_slice %arg3[%add3A, %dma_wait3A_214, %dma_wait3A_215] : memref<32x4x128xi32, #tpu.memory_space<hbm>> -> memref<1x4x128xi32, #tpu.memory_space<hbm>>
      %dma_wait3A_217 = tpu.memref_squeeze %dma_wait3A_216 : memref<1x4x128xi32, #tpu.memory_space<hbm>> -> memref<4x128xi32, #tpu.memory_space<hbm>>
      %dma_wait3A_218 = arith.constant 0 : i32
      %dma_wait3A_219 = arith.constant 0 : i32
      %dma_wait3A_220 = tpu.memref_slice %arg3[%add3A, %dma_wait3A_218, %dma_wait3A_219] : memref<32x4x128xi32, #tpu.memory_space<hbm>> -> memref<1x4x128xi32, #tpu.memory_space<hbm>>
      %dma_wait3A_221 = tpu.memref_squeeze %dma_wait3A_220 : memref<1x4x128xi32, #tpu.memory_space<hbm>> -> memref<4x128xi32, #tpu.memory_space<hbm>>
      tpu.wait_dma2 semaphore(%run_scoped3A : memref<!tpu.dma_semaphore, #tpu.memory_space<semaphore_mem>>) src(%dma_wait3A_221 : memref<4x128xi32, #tpu.memory_space<hbm>>) dst(%arg5 : memref<4x128xi32, #tpu.memory_space<vmem>>)
      tpu.yield
    }) : () -> ()
    %iota3A = tpu.iota {dimensions = array<i32: 0>} : vector<16xi32>
    %mul3A_1 = arith.constant 4 : i32
    %mul3A_2 = arith.muli %add3A, %mul3A_1 : i32
    %add3A_3 = arith.constant 0 : i32
    %add3A_4 = arith.addi %mul3A_2, %add3A_3 : i32
    %mul3A_5 = arith.constant 1024 : i32
    %mul3A_6 = arith.muli %add3A_4, %mul3A_5 : i32
    %scan3A = arith.constant 0 : i32
    %scan3A_7 = arith.constant 0 : i32
    %scan3A_8 = arith.constant 8 : i32
    %scan3A_9 = arith.addi %scan3A_7, %scan3A_8 : i32
    %scan3A_10 = arith.constant 1 : i32
    scf.for %scan3A_206 = %scan3A_7 to %scan3A_9 step %scan3A_10  : i32 {
      %mul3A_207 = arith.constant 16 : i32
      %mul3A_208 = arith.muli %scan3A_206, %mul3A_207 : i32
      %multiple_of3A = tpu.assume_multiple %mul3A_208, 16 : i32
      %get3A = arith.constant 0 : i32
      %get3A_209 = arith.index_cast %get3A : i32 to index
      %get3A_210 = arith.index_cast %multiple_of3A : i32 to index
      %get3A_211 = tpu.vector_load %arg5[%get3A_209, %get3A_210] {strides = array<i32>} : memref<4x128xi32, #tpu.memory_space<vmem>>, vector<16xi32>,
      %shift_right_logical3A = arith.constant 3 : i32
      %shift_right_logical3A_212 = vector.broadcast %shift_right_logical3A : i32 to vector<16xi32>
      %shift_right_logical3A_213 = arith.shrui %get3A_211, %shift_right_logical3A_212 : vector<16xi32>
      %mul3A_214 = arith.constant 131072 : i32
      %mul3A_215 = vector.broadcast %mul3A_214 : i32 to vector<16xi32>
      %mul3A_216 = arith.muli %shift_right_logical3A_213, %mul3A_215 : vector<16xi32>
      %and3A = arith.constant 7 : i32
      %and3A_217 = vector.broadcast %and3A : i32 to vector<16xi32>
      %and3A_218 = arith.andi %get3A_211, %and3A_217 : vector<16xi32>
      %mul3A_219 = arith.constant 128 : i32
      %mul3A_220 = vector.broadcast %mul3A_219 : i32 to vector<16xi32>
      %mul3A_221 = arith.muli %and3A_218, %mul3A_220 : vector<16xi32>
      %add3A_222 = arith.addi %mul3A_216, %mul3A_221 : vector<16xi32>
      %mul3A_223 = arith.constant 16 : i32
      %mul3A_224 = arith.muli %scan3A_206, %mul3A_223 : i32
      %add3A_225 = arith.addi %mul3A_6, %mul3A_224 : i32
      %add3A_226 = vector.broadcast %add3A_225 : i32 to vector<16xi32>
      %add3A_227 = arith.addi %add3A_222, %add3A_226 : vector<16xi32>
      %add3A_228 = arith.addi %add3A_227, %iota3A : vector<16xi32>
      %swap3A = arith.constant 0 : i32
      %swap3A_229 = arith.index_cast %swap3A : i32 to index
      %swap3A_230 = arith.index_cast %multiple_of3A : i32 to index
      %swap3A_231 = tpu.vector_load %arg5[%swap3A_229, %swap3A_230] {strides = array<i32>} : memref<4x128xi32, #tpu.memory_space<vmem>>, vector<16xi32>,
      tpu.vector_store %arg5[%swap3A_229, %swap3A_230], %add3A_228 {strides = array<i32>} : memref<4x128xi32, #tpu.memory_space<vmem>>, vector<16xi32>,
    }
    %scan3A_11 = arith.constant 8 : i32
    %dma_start3A = arith.constant 0 : i32
    %dma_start3A_12 = arith.constant 0 : i32
    %dma_start3A_13 = arith.constant 0 : i32
    %dma_start3A_14 = tpu.memref_slice %arg6[%dma_start3A_12, %dma_start3A_13] : memref<4x128xf32, #tpu.memory_space<vmem>> -> memref<1x64xf32, #tpu.memory_space<vmem>>
    %dma_start3A_15 = tpu.memref_squeeze %dma_start3A_14 : memref<1x64xf32, #tpu.memory_space<vmem>> -> memref<64xf32, #tpu.memory_space<vmem>>
    %dma_start3A_16 = arith.constant 0 : i32
    %dma_start3A_17 = tpu.memref_slice %arg5[%dma_start3A, %dma_start3A_16] : memref<4x128xi32, #tpu.memory_space<vmem>> -> memref<1x64xi32, #tpu.memory_space<vmem>>
    %dma_start3A_18 = tpu.memref_squeeze %dma_start3A_17 : memref<1x64xi32, #tpu.memory_space<vmem>> -> memref<64xi32, #tpu.memory_space<vmem>>
    %dma_start3A_19 = arith.constant 0 : i32
    %dma_start3A_20 = tpu.memref_slice %arg2[%dma_start3A_19] : memref<16384000xf32, #tpu.memory_space<hbm>> -> memref<16384000xf32, #tpu.memory_space<hbm>>
    tpu.enqueue_indirect_dma source(%dma_start3A_20 : memref<16384000xf32, #tpu.memory_space<hbm>>) target(%dma_start3A_15 : memref<64xf32, #tpu.memory_space<vmem>>) offsets(%dma_start3A_18 : memref<64xi32, #tpu.memory_space<vmem>>) semaphore(%arg7 : memref<!tpu.dma_semaphore, #tpu.memory_space<semaphore_mem>>)
    %dma_start3A_21 = arith.constant 0 : i32
    %dma_start3A_22 = arith.constant 0 : i32
    %dma_start3A_23 = arith.constant 64 : i32
    %dma_start3A_24 = tpu.memref_slice %arg6[%dma_start3A_22, %dma_start3A_23] : memref<4x128xf32, #tpu.memory_space<vmem>> -> memref<1x64xf32, #tpu.memory_space<vmem>>
    %dma_start3A_25 = tpu.memref_squeeze %dma_start3A_24 : memref<1x64xf32, #tpu.memory_space<vmem>> -> memref<64xf32, #tpu.memory_space<vmem>>
    %dma_start3A_26 = arith.constant 64 : i32
    %dma_start3A_27 = tpu.memref_slice %arg5[%dma_start3A_21, %dma_start3A_26] : memref<4x128xi32, #tpu.memory_space<vmem>> -> memref<1x64xi32, #tpu.memory_space<vmem>>
    %dma_start3A_28 = tpu.memref_squeeze %dma_start3A_27 : memref<1x64xi32, #tpu.memory_space<vmem>> -> memref<64xi32, #tpu.memory_space<vmem>>
    %dma_start3A_29 = arith.constant 0 : i32
    %dma_start3A_30 = tpu.memref_slice %arg2[%dma_start3A_29] : memref<16384000xf32, #tpu.memory_space<hbm>> -> memref<16384000xf32, #tpu.memory_space<hbm>>
    tpu.enqueue_indirect_dma source(%dma_start3A_30 : memref<16384000xf32, #tpu.memory_space<hbm>>) target(%dma_start3A_25 : memref<64xf32, #tpu.memory_space<vmem>>) offsets(%dma_start3A_28 : memref<64xi32, #tpu.memory_space<vmem>>) semaphore(%arg7 : memref<!tpu.dma_semaphore, #tpu.memory_space<semaphore_mem>>)
    %mul3A_31 = arith.constant 4 : i32
    %mul3A_32 = arith.muli %add3A, %mul3A_31 : i32
    %add3A_33 = arith.constant 1 : i32
    %add3A_34 = arith.addi %mul3A_32, %add3A_33 : i32
    %mul3A_35 = arith.constant 1024 : i32
    %mul3A_36 = arith.muli %add3A_34, %mul3A_35 : i32
    %scan3A_37 = arith.constant 0 : i32
    %scan3A_38 = arith.constant 0 : i32
    %scan3A_39 = arith.constant 8 : i32
    %scan3A_40 = arith.addi %scan3A_38, %scan3A_39 : i32
    %scan3A_41 = arith.constant 1 : i32
    scf.for %scan3A_206 = %scan3A_38 to %scan3A_40 step %scan3A_41  : i32 {
      %mul3A_207 = arith.constant 16 : i32
      %mul3A_208 = arith.muli %scan3A_206, %mul3A_207 : i32
      %multiple_of3A = tpu.assume_multiple %mul3A_208, 16 : i32
      %get3A = arith.constant 1 : i32
      %get3A_209 = arith.index_cast %get3A : i32 to index
      %get3A_210 = arith.index_cast %multiple_of3A : i32 to index
      %get3A_211 = tpu.vector_load %arg5[%get3A_209, %get3A_210] {strides = array<i32>} : memref<4x128xi32, #tpu.memory_space<vmem>>, vector<16xi32>,
      %shift_right_logical3A = arith.constant 3 : i32
      %shift_right_logical3A_212 = vector.broadcast %shift_right_logical3A : i32 to vector<16xi32>
      %shift_right_logical3A_213 = arith.shrui %get3A_211, %shift_right_logical3A_212 : vector<16xi32>
      %mul3A_214 = arith.constant 131072 : i32
      %mul3A_215 = vector.broadcast %mul3A_214 : i32 to vector<16xi32>
      %mul3A_216 = arith.muli %shift_right_logical3A_213, %mul3A_215 : vector<16xi32>
      %and3A = arith.constant 7 : i32
      %and3A_217 = vector.broadcast %and3A : i32 to vector<16xi32>
      %and3A_218 = arith.andi %get3A_211, %and3A_217 : vector<16xi32>
      %mul3A_219 = arith.constant 128 : i32
      %mul3A_220 = vector.broadcast %mul3A_219 : i32 to vector<16xi32>
      %mul3A_221 = arith.muli %and3A_218, %mul3A_220 : vector<16xi32>
      %add3A_222 = arith.addi %mul3A_216, %mul3A_221 : vector<16xi32>
      %mul3A_223 = arith.constant 16 : i32
      %mul3A_224 = arith.muli %scan3A_206, %mul3A_223 : i32
      %add3A_225 = arith.addi %mul3A_36, %mul3A_224 : i32
      %add3A_226 = vector.broadcast %add3A_225 : i32 to vector<16xi32>
      %add3A_227 = arith.addi %add3A_222, %add3A_226 : vector<16xi32>
      %add3A_228 = arith.addi %add3A_227, %iota3A : vector<16xi32>
      %swap3A = arith.constant 1 : i32
      %swap3A_229 = arith.index_cast %swap3A : i32 to index
      %swap3A_230 = arith.index_cast %multiple_of3A : i32 to index
      %swap3A_231 = tpu.vector_load %arg5[%swap3A_229, %swap3A_230] {strides = array<i32>} : memref<4x128xi32, #tpu.memory_space<vmem>>, vector<16xi32>,
      tpu.vector_store %arg5[%swap3A_229, %swap3A_230], %add3A_228 {strides = array<i32>} : memref<4x128xi32, #tpu.memory_space<vmem>>, vector<16xi32>,
    }
    %scan3A_42 = arith.constant 8 : i32
    %dma_start3A_43 = arith.constant 1 : i32
    %dma_start3A_44 = arith.constant 1 : i32
    %dma_start3A_45 = arith.constant 0 : i32
    %dma_start3A_46 = tpu.memref_slice %arg6[%dma_start3A_44, %dma_start3A_45] : memref<4x128xf32, #tpu.memory_space<vmem>> -> memref<1x64xf32, #tpu.memory_space<vmem>>
    %dma_start3A_47 = tpu.memref_squeeze %dma_start3A_46 : memref<1x64xf32, #tpu.memory_space<vmem>> -> memref<64xf32, #tpu.memory_space<vmem>>
    %dma_start3A_48 = arith.constant 0 : i32
    %dma_start3A_49 = tpu.memref_slice %arg5[%dma_start3A_43, %dma_start3A_48] : memref<4x128xi32, #tpu.memory_space<vmem>> -> memref<1x64xi32, #tpu.memory_space<vmem>>
    %dma_start3A_50 = tpu.memref_squeeze %dma_start3A_49 : memref<1x64xi32, #tpu.memory_space<vmem>> -> memref<64xi32, #tpu.memory_space<vmem>>
    %dma_start3A_51 = arith.constant 0 : i32
    %dma_start3A_52 = tpu.memref_slice %arg2[%dma_start3A_51] : memref<16384000xf32, #tpu.memory_space<hbm>> -> memref<16384000xf32, #tpu.memory_space<hbm>>
    tpu.enqueue_indirect_dma source(%dma_start3A_52 : memref<16384000xf32, #tpu.memory_space<hbm>>) target(%dma_start3A_47 : memref<64xf32, #tpu.memory_space<vmem>>) offsets(%dma_start3A_50 : memref<64xi32, #tpu.memory_space<vmem>>) semaphore(%arg7 : memref<!tpu.dma_semaphore, #tpu.memory_space<semaphore_mem>>)
    %dma_start3A_53 = arith.constant 1 : i32
    %dma_start3A_54 = arith.constant 1 : i32
    %dma_start3A_55 = arith.constant 64 : i32
    %dma_start3A_56 = tpu.memref_slice %arg6[%dma_start3A_54, %dma_start3A_55] : memref<4x128xf32, #tpu.memory_space<vmem>> -> memref<1x64xf32, #tpu.memory_space<vmem>>
    %dma_start3A_57 = tpu.memref_squeeze %dma_start3A_56 : memref<1x64xf32, #tpu.memory_space<vmem>> -> memref<64xf32, #tpu.memory_space<vmem>>
    %dma_start3A_58 = arith.constant 64 : i32
    %dma_start3A_59 = tpu.memref_slice %arg5[%dma_start3A_53, %dma_start3A_58] : memref<4x128xi32, #tpu.memory_space<vmem>> -> memref<1x64xi32, #tpu.memory_space<vmem>>
    %dma_start3A_60 = tpu.memref_squeeze %dma_start3A_59 : memref<1x64xi32, #tpu.memory_space<vmem>> -> memref<64xi32, #tpu.memory_space<vmem>>
    %dma_start3A_61 = arith.constant 0 : i32
    %dma_start3A_62 = tpu.memref_slice %arg2[%dma_start3A_61] : memref<16384000xf32, #tpu.memory_space<hbm>> -> memref<16384000xf32, #tpu.memory_space<hbm>>
    tpu.enqueue_indirect_dma source(%dma_start3A_62 : memref<16384000xf32, #tpu.memory_space<hbm>>) target(%dma_start3A_57 : memref<64xf32, #tpu.memory_space<vmem>>) offsets(%dma_start3A_60 : memref<64xi32, #tpu.memory_space<vmem>>) semaphore(%arg7 : memref<!tpu.dma_semaphore, #tpu.memory_space<semaphore_mem>>)
    %mul3A_63 = arith.constant 4 : i32
    %mul3A_64 = arith.muli %add3A, %mul3A_63 : i32
    %add3A_65 = arith.constant 2 : i32
    %add3A_66 = arith.addi %mul3A_64, %add3A_65 : i32
    %mul3A_67 = arith.constant 1024 : i32
    %mul3A_68 = arith.muli %add3A_66, %mul3A_67 : i32
    %scan3A_69 = arith.constant 0 : i32
    %scan3A_70 = arith.constant 0 : i32
    %scan3A_71 = arith.constant 8 : i32
    %scan3A_72 = arith.addi %scan3A_70, %scan3A_71 : i32
    %scan3A_73 = arith.constant 1 : i32
    scf.for %scan3A_206 = %scan3A_70 to %scan3A_72 step %scan3A_73  : i32 {
      %mul3A_207 = arith.constant 16 : i32
      %mul3A_208 = arith.muli %scan3A_206, %mul3A_207 : i32
      %multiple_of3A = tpu.assume_multiple %mul3A_208, 16 : i32
      %get3A = arith.constant 2 : i32
      %get3A_209 = arith.index_cast %get3A : i32 to index
      %get3A_210 = arith.index_cast %multiple_of3A : i32 to index
      %get3A_211 = tpu.vector_load %arg5[%get3A_209, %get3A_210] {strides = array<i32>} : memref<4x128xi32, #tpu.memory_space<vmem>>, vector<16xi32>,
      %shift_right_logical3A = arith.constant 3 : i32
      %shift_right_logical3A_212 = vector.broadcast %shift_right_logical3A : i32 to vector<16xi32>
      %shift_right_logical3A_213 = arith.shrui %get3A_211, %shift_right_logical3A_212 : vector<16xi32>
      %mul3A_214 = arith.constant 131072 : i32
      %mul3A_215 = vector.broadcast %mul3A_214 : i32 to vector<16xi32>
      %mul3A_216 = arith.muli %shift_right_logical3A_213, %mul3A_215 : vector<16xi32>
      %and3A = arith.constant 7 : i32
      %and3A_217 = vector.broadcast %and3A : i32 to vector<16xi32>
      %and3A_218 = arith.andi %get3A_211, %and3A_217 : vector<16xi32>
      %mul3A_219 = arith.constant 128 : i32
      %mul3A_220 = vector.broadcast %mul3A_219 : i32 to vector<16xi32>
      %mul3A_221 = arith.muli %and3A_218, %mul3A_220 : vector<16xi32>
      %add3A_222 = arith.addi %mul3A_216, %mul3A_221 : vector<16xi32>
      %mul3A_223 = arith.constant 16 : i32
      %mul3A_224 = arith.muli %scan3A_206, %mul3A_223 : i32
      %add3A_225 = arith.addi %mul3A_68, %mul3A_224 : i32
      %add3A_226 = vector.broadcast %add3A_225 : i32 to vector<16xi32>
      %add3A_227 = arith.addi %add3A_222, %add3A_226 : vector<16xi32>
      %add3A_228 = arith.addi %add3A_227, %iota3A : vector<16xi32>
      %swap3A = arith.constant 2 : i32
      %swap3A_229 = arith.index_cast %swap3A : i32 to index
      %swap3A_230 = arith.index_cast %multiple_of3A : i32 to index
      %swap3A_231 = tpu.vector_load %arg5[%swap3A_229, %swap3A_230] {strides = array<i32>} : memref<4x128xi32, #tpu.memory_space<vmem>>, vector<16xi32>,
      tpu.vector_store %arg5[%swap3A_229, %swap3A_230], %add3A_228 {strides = array<i32>} : memref<4x128xi32, #tpu.memory_space<vmem>>, vector<16xi32>,
    }
    %scan3A_74 = arith.constant 8 : i32
    %dma_start3A_75 = arith.constant 2 : i32
    %dma_start3A_76 = arith.constant 2 : i32
    %dma_start3A_77 = arith.constant 0 : i32
    %dma_start3A_78 = tpu.memref_slice %arg6[%dma_start3A_76, %dma_start3A_77] : memref<4x128xf32, #tpu.memory_space<vmem>> -> memref<1x64xf32, #tpu.memory_space<vmem>>
    %dma_start3A_79 = tpu.memref_squeeze %dma_start3A_78 : memref<1x64xf32, #tpu.memory_space<vmem>> -> memref<64xf32, #tpu.memory_space<vmem>>
    %dma_start3A_80 = arith.constant 0 : i32
    %dma_start3A_81 = tpu.memref_slice %arg5[%dma_start3A_75, %dma_start3A_80] : memref<4x128xi32, #tpu.memory_space<vmem>> -> memref<1x64xi32, #tpu.memory_space<vmem>>
    %dma_start3A_82 = tpu.memref_squeeze %dma_start3A_81 : memref<1x64xi32, #tpu.memory_space<vmem>> -> memref<64xi32, #tpu.memory_space<vmem>>
    %dma_start3A_83 = arith.constant 0 : i32
    %dma_start3A_84 = tpu.memref_slice %arg2[%dma_start3A_83] : memref<16384000xf32, #tpu.memory_space<hbm>> -> memref<16384000xf32, #tpu.memory_space<hbm>>
    tpu.enqueue_indirect_dma source(%dma_start3A_84 : memref<16384000xf32, #tpu.memory_space<hbm>>) target(%dma_start3A_79 : memref<64xf32, #tpu.memory_space<vmem>>) offsets(%dma_start3A_82 : memref<64xi32, #tpu.memory_space<vmem>>) semaphore(%arg7 : memref<!tpu.dma_semaphore, #tpu.memory_space<semaphore_mem>>)
    %dma_start3A_85 = arith.constant 2 : i32
    %dma_start3A_86 = arith.constant 2 : i32
    %dma_start3A_87 = arith.constant 64 : i32
    %dma_start3A_88 = tpu.memref_slice %arg6[%dma_start3A_86, %dma_start3A_87] : memref<4x128xf32, #tpu.memory_space<vmem>> -> memref<1x64xf32, #tpu.memory_space<vmem>>
    %dma_start3A_89 = tpu.memref_squeeze %dma_start3A_88 : memref<1x64xf32, #tpu.memory_space<vmem>> -> memref<64xf32, #tpu.memory_space<vmem>>
    %dma_start3A_90 = arith.constant 64 : i32
    %dma_start3A_91 = tpu.memref_slice %arg5[%dma_start3A_85, %dma_start3A_90] : memref<4x128xi32, #tpu.memory_space<vmem>> -> memref<1x64xi32, #tpu.memory_space<vmem>>
    %dma_start3A_92 = tpu.memref_squeeze %dma_start3A_91 : memref<1x64xi32, #tpu.memory_space<vmem>> -> memref<64xi32, #tpu.memory_space<vmem>>
    %dma_start3A_93 = arith.constant 0 : i32
    %dma_start3A_94 = tpu.memref_slice %arg2[%dma_start3A_93] : memref<16384000xf32, #tpu.memory_space<hbm>> -> memref<16384000xf32, #tpu.memory_space<hbm>>
    tpu.enqueue_indirect_dma source(%dma_start3A_94 : memref<16384000xf32, #tpu.memory_space<hbm>>) target(%dma_start3A_89 : memref<64xf32, #tpu.memory_space<vmem>>) offsets(%dma_start3A_92 : memref<64xi32, #tpu.memory_space<vmem>>) semaphore(%arg7 : memref<!tpu.dma_semaphore, #tpu.memory_space<semaphore_mem>>)
    %mul3A_95 = arith.constant 4 : i32
    %mul3A_96 = arith.muli %add3A, %mul3A_95 : i32
    %add3A_97 = arith.constant 3 : i32
    %add3A_98 = arith.addi %mul3A_96, %add3A_97 : i32
    %mul3A_99 = arith.constant 1024 : i32
    %mul3A_100 = arith.muli %add3A_98, %mul3A_99 : i32
    %scan3A_101 = arith.constant 0 : i32
    %scan3A_102 = arith.constant 0 : i32
    %scan3A_103 = arith.constant 8 : i32
    %scan3A_104 = arith.addi %scan3A_102, %scan3A_103 : i32
    %scan3A_105 = arith.constant 1 : i32
    scf.for %scan3A_206 = %scan3A_102 to %scan3A_104 step %scan3A_105  : i32 {
      %mul3A_207 = arith.constant 16 : i32
      %mul3A_208 = arith.muli %scan3A_206, %mul3A_207 : i32
      %multiple_of3A = tpu.assume_multiple %mul3A_208, 16 : i32
      %get3A = arith.constant 3 : i32
      %get3A_209 = arith.index_cast %get3A : i32 to index
      %get3A_210 = arith.index_cast %multiple_of3A : i32 to index
      %get3A_211 = tpu.vector_load %arg5[%get3A_209, %get3A_210] {strides = array<i32>} : memref<4x128xi32, #tpu.memory_space<vmem>>, vector<16xi32>,
      %shift_right_logical3A = arith.constant 3 : i32
      %shift_right_logical3A_212 = vector.broadcast %shift_right_logical3A : i32 to vector<16xi32>
      %shift_right_logical3A_213 = arith.shrui %get3A_211, %shift_right_logical3A_212 : vector<16xi32>
      %mul3A_214 = arith.constant 131072 : i32
      %mul3A_215 = vector.broadcast %mul3A_214 : i32 to vector<16xi32>
      %mul3A_216 = arith.muli %shift_right_logical3A_213, %mul3A_215 : vector<16xi32>
      %and3A = arith.constant 7 : i32
      %and3A_217 = vector.broadcast %and3A : i32 to vector<16xi32>
      %and3A_218 = arith.andi %get3A_211, %and3A_217 : vector<16xi32>
      %mul3A_219 = arith.constant 128 : i32
      %mul3A_220 = vector.broadcast %mul3A_219 : i32 to vector<16xi32>
      %mul3A_221 = arith.muli %and3A_218, %mul3A_220 : vector<16xi32>
      %add3A_222 = arith.addi %mul3A_216, %mul3A_221 : vector<16xi32>
      %mul3A_223 = arith.constant 16 : i32
      %mul3A_224 = arith.muli %scan3A_206, %mul3A_223 : i32
      %add3A_225 = arith.addi %mul3A_100, %mul3A_224 : i32
      %add3A_226 = vector.broadcast %add3A_225 : i32 to vector<16xi32>
      %add3A_227 = arith.addi %add3A_222, %add3A_226 : vector<16xi32>
      %add3A_228 = arith.addi %add3A_227, %iota3A : vector<16xi32>
      %swap3A = arith.constant 3 : i32
      %swap3A_229 = arith.index_cast %swap3A : i32 to index
      %swap3A_230 = arith.index_cast %multiple_of3A : i32 to index
      %swap3A_231 = tpu.vector_load %arg5[%swap3A_229, %swap3A_230] {strides = array<i32>} : memref<4x128xi32, #tpu.memory_space<vmem>>, vector<16xi32>,
      tpu.vector_store %arg5[%swap3A_229, %swap3A_230], %add3A_228 {strides = array<i32>} : memref<4x128xi32, #tpu.memory_space<vmem>>, vector<16xi32>,
    }
    %scan3A_106 = arith.constant 8 : i32
    %dma_start3A_107 = arith.constant 3 : i32
    %dma_start3A_108 = arith.constant 3 : i32
    %dma_start3A_109 = arith.constant 0 : i32
    %dma_start3A_110 = tpu.memref_slice %arg6[%dma_start3A_108, %dma_start3A_109] : memref<4x128xf32, #tpu.memory_space<vmem>> -> memref<1x64xf32, #tpu.memory_space<vmem>>
    %dma_start3A_111 = tpu.memref_squeeze %dma_start3A_110 : memref<1x64xf32, #tpu.memory_space<vmem>> -> memref<64xf32, #tpu.memory_space<vmem>>
    %dma_start3A_112 = arith.constant 0 : i32
    %dma_start3A_113 = tpu.memref_slice %arg5[%dma_start3A_107, %dma_start3A_112] : memref<4x128xi32, #tpu.memory_space<vmem>> -> memref<1x64xi32, #tpu.memory_space<vmem>>
    %dma_start3A_114 = tpu.memref_squeeze %dma_start3A_113 : memref<1x64xi32, #tpu.memory_space<vmem>> -> memref<64xi32, #tpu.memory_space<vmem>>
    %dma_start3A_115 = arith.constant 0 : i32
    %dma_start3A_116 = tpu.memref_slice %arg2[%dma_start3A_115] : memref<16384000xf32, #tpu.memory_space<hbm>> -> memref<16384000xf32, #tpu.memory_space<hbm>>
    tpu.enqueue_indirect_dma source(%dma_start3A_116 : memref<16384000xf32, #tpu.memory_space<hbm>>) target(%dma_start3A_111 : memref<64xf32, #tpu.memory_space<vmem>>) offsets(%dma_start3A_114 : memref<64xi32, #tpu.memory_space<vmem>>) semaphore(%arg7 : memref<!tpu.dma_semaphore, #tpu.memory_space<semaphore_mem>>)
    %dma_start3A_117 = arith.constant 3 : i32
    %dma_start3A_118 = arith.constant 3 : i32
    %dma_start3A_119 = arith.constant 64 : i32
    %dma_start3A_120 = tpu.memref_slice %arg6[%dma_start3A_118, %dma_start3A_119] : memref<4x128xf32, #tpu.memory_space<vmem>> -> memref<1x64xf32, #tpu.memory_space<vmem>>
    %dma_start3A_121 = tpu.memref_squeeze %dma_start3A_120 : memref<1x64xf32, #tpu.memory_space<vmem>> -> memref<64xf32, #tpu.memory_space<vmem>>
    %dma_start3A_122 = arith.constant 64 : i32
    %dma_start3A_123 = tpu.memref_slice %arg5[%dma_start3A_117, %dma_start3A_122] : memref<4x128xi32, #tpu.memory_space<vmem>> -> memref<1x64xi32, #tpu.memory_space<vmem>>
    %dma_start3A_124 = tpu.memref_squeeze %dma_start3A_123 : memref<1x64xi32, #tpu.memory_space<vmem>> -> memref<64xi32, #tpu.memory_space<vmem>>
    %dma_start3A_125 = arith.constant 0 : i32
    %dma_start3A_126 = tpu.memref_slice %arg2[%dma_start3A_125] : memref<16384000xf32, #tpu.memory_space<hbm>> -> memref<16384000xf32, #tpu.memory_space<hbm>>
    tpu.enqueue_indirect_dma source(%dma_start3A_126 : memref<16384000xf32, #tpu.memory_space<hbm>>) target(%dma_start3A_121 : memref<64xf32, #tpu.memory_space<vmem>>) offsets(%dma_start3A_124 : memref<64xi32, #tpu.memory_space<vmem>>) semaphore(%arg7 : memref<!tpu.dma_semaphore, #tpu.memory_space<semaphore_mem>>)
    %dma_wait3A = arith.constant 0 : i32
    %dma_wait3A_127 = arith.constant 0 : i32
    %dma_wait3A_128 = arith.constant 0 : i32
    %dma_wait3A_129 = tpu.memref_slice %arg6[%dma_wait3A_127, %dma_wait3A_128] : memref<4x128xf32, #tpu.memory_space<vmem>> -> memref<1x64xf32, #tpu.memory_space<vmem>>
    %dma_wait3A_130 = tpu.memref_squeeze %dma_wait3A_129 : memref<1x64xf32, #tpu.memory_space<vmem>> -> memref<64xf32, #tpu.memory_space<vmem>>
    %dma_wait3A_131 = arith.constant 0 : i32
    %dma_wait3A_132 = tpu.memref_slice %arg5[%dma_wait3A, %dma_wait3A_131] : memref<4x128xi32, #tpu.memory_space<vmem>> -> memref<1x64xi32, #tpu.memory_space<vmem>>
    %dma_wait3A_133 = tpu.memref_squeeze %dma_wait3A_132 : memref<1x64xi32, #tpu.memory_space<vmem>> -> memref<64xi32, #tpu.memory_space<vmem>>
    %dma_wait3A_134 = arith.constant 0 : i32
    %dma_wait3A_135 = tpu.memref_slice %arg2[%dma_wait3A_134] : memref<16384000xf32, #tpu.memory_space<hbm>> -> memref<16384000xf32, #tpu.memory_space<hbm>>
    tpu.wait_indirect_dma semaphore(%arg7 : memref<!tpu.dma_semaphore, #tpu.memory_space<semaphore_mem>>) src(%dma_wait3A_135 : memref<16384000xf32, #tpu.memory_space<hbm>>) dst(%dma_wait3A_130 : memref<64xf32, #tpu.memory_space<vmem>>)
    %dma_wait3A_136 = arith.constant 0 : i32
    %dma_wait3A_137 = arith.constant 0 : i32
    %dma_wait3A_138 = arith.constant 64 : i32
    %dma_wait3A_139 = tpu.memref_slice %arg6[%dma_wait3A_137, %dma_wait3A_138] : memref<4x128xf32, #tpu.memory_space<vmem>> -> memref<1x64xf32, #tpu.memory_space<vmem>>
    %dma_wait3A_140 = tpu.memref_squeeze %dma_wait3A_139 : memref<1x64xf32, #tpu.memory_space<vmem>> -> memref<64xf32, #tpu.memory_space<vmem>>
    %dma_wait3A_141 = arith.constant 64 : i32
    %dma_wait3A_142 = tpu.memref_slice %arg5[%dma_wait3A_136, %dma_wait3A_141] : memref<4x128xi32, #tpu.memory_space<vmem>> -> memref<1x64xi32, #tpu.memory_space<vmem>>
    %dma_wait3A_143 = tpu.memref_squeeze %dma_wait3A_142 : memref<1x64xi32, #tpu.memory_space<vmem>> -> memref<64xi32, #tpu.memory_space<vmem>>
    %dma_wait3A_144 = arith.constant 0 : i32
    %dma_wait3A_145 = tpu.memref_slice %arg2[%dma_wait3A_144] : memref<16384000xf32, #tpu.memory_space<hbm>> -> memref<16384000xf32, #tpu.memory_space<hbm>>
    tpu.wait_indirect_dma semaphore(%arg7 : memref<!tpu.dma_semaphore, #tpu.memory_space<semaphore_mem>>) src(%dma_wait3A_145 : memref<16384000xf32, #tpu.memory_space<hbm>>) dst(%dma_wait3A_140 : memref<64xf32, #tpu.memory_space<vmem>>)
    %dma_wait3A_146 = arith.constant 1 : i32
    %dma_wait3A_147 = arith.constant 1 : i32
    %dma_wait3A_148 = arith.constant 0 : i32
    %dma_wait3A_149 = tpu.memref_slice %arg6[%dma_wait3A_147, %dma_wait3A_148] : memref<4x128xf32, #tpu.memory_space<vmem>> -> memref<1x64xf32, #tpu.memory_space<vmem>>
    %dma_wait3A_150 = tpu.memref_squeeze %dma_wait3A_149 : memref<1x64xf32, #tpu.memory_space<vmem>> -> memref<64xf32, #tpu.memory_space<vmem>>
    %dma_wait3A_151 = arith.constant 0 : i32
    %dma_wait3A_152 = tpu.memref_slice %arg5[%dma_wait3A_146, %dma_wait3A_151] : memref<4x128xi32, #tpu.memory_space<vmem>> -> memref<1x64xi32, #tpu.memory_space<vmem>>
    %dma_wait3A_153 = tpu.memref_squeeze %dma_wait3A_152 : memref<1x64xi32, #tpu.memory_space<vmem>> -> memref<64xi32, #tpu.memory_space<vmem>>
    %dma_wait3A_154 = arith.constant 0 : i32
    %dma_wait3A_155 = tpu.memref_slice %arg2[%dma_wait3A_154] : memref<16384000xf32, #tpu.memory_space<hbm>> -> memref<16384000xf32, #tpu.memory_space<hbm>>
    tpu.wait_indirect_dma semaphore(%arg7 : memref<!tpu.dma_semaphore, #tpu.memory_space<semaphore_mem>>) src(%dma_wait3A_155 : memref<16384000xf32, #tpu.memory_space<hbm>>) dst(%dma_wait3A_150 : memref<64xf32, #tpu.memory_space<vmem>>)
    %dma_wait3A_156 = arith.constant 1 : i32
    %dma_wait3A_157 = arith.constant 1 : i32
    %dma_wait3A_158 = arith.constant 64 : i32
    %dma_wait3A_159 = tpu.memref_slice %arg6[%dma_wait3A_157, %dma_wait3A_158] : memref<4x128xf32, #tpu.memory_space<vmem>> -> memref<1x64xf32, #tpu.memory_space<vmem>>
    %dma_wait3A_160 = tpu.memref_squeeze %dma_wait3A_159 : memref<1x64xf32, #tpu.memory_space<vmem>> -> memref<64xf32, #tpu.memory_space<vmem>>
    %dma_wait3A_161 = arith.constant 64 : i32
    %dma_wait3A_162 = tpu.memref_slice %arg5[%dma_wait3A_156, %dma_wait3A_161] : memref<4x128xi32, #tpu.memory_space<vmem>> -> memref<1x64xi32, #tpu.memory_space<vmem>>
    %dma_wait3A_163 = tpu.memref_squeeze %dma_wait3A_162 : memref<1x64xi32, #tpu.memory_space<vmem>> -> memref<64xi32, #tpu.memory_space<vmem>>
    %dma_wait3A_164 = arith.constant 0 : i32
    %dma_wait3A_165 = tpu.memref_slice %arg2[%dma_wait3A_164] : memref<16384000xf32, #tpu.memory_space<hbm>> -> memref<16384000xf32, #tpu.memory_space<hbm>>
    tpu.wait_indirect_dma semaphore(%arg7 : memref<!tpu.dma_semaphore, #tpu.memory_space<semaphore_mem>>) src(%dma_wait3A_165 : memref<16384000xf32, #tpu.memory_space<hbm>>) dst(%dma_wait3A_160 : memref<64xf32, #tpu.memory_space<vmem>>)
    %dma_wait3A_166 = arith.constant 2 : i32
    %dma_wait3A_167 = arith.constant 2 : i32
    %dma_wait3A_168 = arith.constant 0 : i32
    %dma_wait3A_169 = tpu.memref_slice %arg6[%dma_wait3A_167, %dma_wait3A_168] : memref<4x128xf32, #tpu.memory_space<vmem>> -> memref<1x64xf32, #tpu.memory_space<vmem>>
    %dma_wait3A_170 = tpu.memref_squeeze %dma_wait3A_169 : memref<1x64xf32, #tpu.memory_space<vmem>> -> memref<64xf32, #tpu.memory_space<vmem>>
    %dma_wait3A_171 = arith.constant 0 : i32
    %dma_wait3A_172 = tpu.memref_slice %arg5[%dma_wait3A_166, %dma_wait3A_171] : memref<4x128xi32, #tpu.memory_space<vmem>> -> memref<1x64xi32, #tpu.memory_space<vmem>>
    %dma_wait3A_173 = tpu.memref_squeeze %dma_wait3A_172 : memref<1x64xi32, #tpu.memory_space<vmem>> -> memref<64xi32, #tpu.memory_space<vmem>>
    %dma_wait3A_174 = arith.constant 0 : i32
    %dma_wait3A_175 = tpu.memref_slice %arg2[%dma_wait3A_174] : memref<16384000xf32, #tpu.memory_space<hbm>> -> memref<16384000xf32, #tpu.memory_space<hbm>>
    tpu.wait_indirect_dma semaphore(%arg7 : memref<!tpu.dma_semaphore, #tpu.memory_space<semaphore_mem>>) src(%dma_wait3A_175 : memref<16384000xf32, #tpu.memory_space<hbm>>) dst(%dma_wait3A_170 : memref<64xf32, #tpu.memory_space<vmem>>)
    %dma_wait3A_176 = arith.constant 2 : i32
    %dma_wait3A_177 = arith.constant 2 : i32
    %dma_wait3A_178 = arith.constant 64 : i32
    %dma_wait3A_179 = tpu.memref_slice %arg6[%dma_wait3A_177, %dma_wait3A_178] : memref<4x128xf32, #tpu.memory_space<vmem>> -> memref<1x64xf32, #tpu.memory_space<vmem>>
    %dma_wait3A_180 = tpu.memref_squeeze %dma_wait3A_179 : memref<1x64xf32, #tpu.memory_space<vmem>> -> memref<64xf32, #tpu.memory_space<vmem>>
    %dma_wait3A_181 = arith.constant 64 : i32
    %dma_wait3A_182 = tpu.memref_slice %arg5[%dma_wait3A_176, %dma_wait3A_181] : memref<4x128xi32, #tpu.memory_space<vmem>> -> memref<1x64xi32, #tpu.memory_space<vmem>>
    %dma_wait3A_183 = tpu.memref_squeeze %dma_wait3A_182 : memref<1x64xi32, #tpu.memory_space<vmem>> -> memref<64xi32, #tpu.memory_space<vmem>>
    %dma_wait3A_184 = arith.constant 0 : i32
    %dma_wait3A_185 = tpu.memref_slice %arg2[%dma_wait3A_184] : memref<16384000xf32, #tpu.memory_space<hbm>> -> memref<16384000xf32, #tpu.memory_space<hbm>>
    tpu.wait_indirect_dma semaphore(%arg7 : memref<!tpu.dma_semaphore, #tpu.memory_space<semaphore_mem>>) src(%dma_wait3A_185 : memref<16384000xf32, #tpu.memory_space<hbm>>) dst(%dma_wait3A_180 : memref<64xf32, #tpu.memory_space<vmem>>)
    %dma_wait3A_186 = arith.constant 3 : i32
    %dma_wait3A_187 = arith.constant 3 : i32
    %dma_wait3A_188 = arith.constant 0 : i32
    %dma_wait3A_189 = tpu.memref_slice %arg6[%dma_wait3A_187, %dma_wait3A_188] : memref<4x128xf32, #tpu.memory_space<vmem>> -> memref<1x64xf32, #tpu.memory_space<vmem>>
    %dma_wait3A_190 = tpu.memref_squeeze %dma_wait3A_189 : memref<1x64xf32, #tpu.memory_space<vmem>> -> memref<64xf32, #tpu.memory_space<vmem>>
    %dma_wait3A_191 = arith.constant 0 : i32
    %dma_wait3A_192 = tpu.memref_slice %arg5[%dma_wait3A_186, %dma_wait3A_191] : memref<4x128xi32, #tpu.memory_space<vmem>> -> memref<1x64xi32, #tpu.memory_space<vmem>>
    %dma_wait3A_193 = tpu.memref_squeeze %dma_wait3A_192 : memref<1x64xi32, #tpu.memory_space<vmem>> -> memref<64xi32, #tpu.memory_space<vmem>>
    %dma_wait3A_194 = arith.constant 0 : i32
    %dma_wait3A_195 = tpu.memref_slice %arg2[%dma_wait3A_194] : memref<16384000xf32, #tpu.memory_space<hbm>> -> memref<16384000xf32, #tpu.memory_space<hbm>>
    tpu.wait_indirect_dma semaphore(%arg7 : memref<!tpu.dma_semaphore, #tpu.memory_space<semaphore_mem>>) src(%dma_wait3A_195 : memref<16384000xf32, #tpu.memory_space<hbm>>) dst(%dma_wait3A_190 : memref<64xf32, #tpu.memory_space<vmem>>)
    %dma_wait3A_196 = arith.constant 3 : i32
    %dma_wait3A_197 = arith.constant 3 : i32
    %dma_wait3A_198 = arith.constant 64 : i32
    %dma_wait3A_199 = tpu.memref_slice %arg6[%dma_wait3A_197, %dma_wait3A_198] : memref<4x128xf32, #tpu.memory_space<vmem>> -> memref<1x64xf32, #tpu.memory_space<vmem>>
    %dma_wait3A_200 = tpu.memref_squeeze %dma_wait3A_199 : memref<1x64xf32, #tpu.memory_space<vmem>> -> memref<64xf32, #tpu.memory_space<vmem>>
    %dma_wait3A_201 = arith.constant 64 : i32
    %dma_wait3A_202 = tpu.memref_slice %arg5[%dma_wait3A_196, %dma_wait3A_201] : memref<4x128xi32, #tpu.memory_space<vmem>> -> memref<1x64xi32, #tpu.memory_space<vmem>>
    %dma_wait3A_203 = tpu.memref_squeeze %dma_wait3A_202 : memref<1x64xi32, #tpu.memory_space<vmem>> -> memref<64xi32, #tpu.memory_space<vmem>>
    %dma_wait3A_204 = arith.constant 0 : i32
    %dma_wait3A_205 = tpu.memref_slice %arg2[%dma_wait3A_204] : memref<16384000xf32, #tpu.memory_space<hbm>> -> memref<16384000xf32, #tpu.memory_space<hbm>>
    tpu.wait_indirect_dma semaphore(%arg7 : memref<!tpu.dma_semaphore, #tpu.memory_space<semaphore_mem>>) src(%dma_wait3A_205 : memref<16384000xf32, #tpu.memory_space<hbm>>) dst(%dma_wait3A_200 : memref<64xf32, #tpu.memory_space<vmem>>)
    "tpu.region"() ({
      %run_scoped3A = tpu.sem_alloc : memref<!tpu.dma_semaphore, #tpu.memory_space<semaphore_mem>>
      %dma_start3A_206 = arith.constant 0 : i32
      %dma_start3A_207 = arith.constant 0 : i32
      %dma_start3A_208 = tpu.memref_slice %arg4[%add3A, %dma_start3A_206, %dma_start3A_207] : memref<32x4x128xf32, #tpu.memory_space<hbm>> -> memref<1x4x128xf32, #tpu.memory_space<hbm>>
      %dma_start3A_209 = tpu.memref_squeeze %dma_start3A_208 : memref<1x4x128xf32, #tpu.memory_space<hbm>> -> memref<4x128xf32, #tpu.memory_space<hbm>>
      %dma_start3A_210 = arith.constant 0 : i32
      %dma_start3A_211 = arith.constant 0 : i32
      %dma_start3A_212 = tpu.memref_slice %arg4[%add3A, %dma_start3A_210, %dma_start3A_211] : memref<32x4x128xf32, #tpu.memory_space<hbm>> -> memref<1x4x128xf32, #tpu.memory_space<hbm>>
      %dma_start3A_213 = tpu.memref_squeeze %dma_start3A_212 : memref<1x4x128xf32, #tpu.memory_space<hbm>> -> memref<4x128xf32, #tpu.memory_space<hbm>>
      tpu.enqueue_dma source(%arg6 : memref<4x128xf32, #tpu.memory_space<vmem>>) target(%dma_start3A_213 : memref<4x128xf32, #tpu.memory_space<hbm>>) target_semaphore(%run_scoped3A : memref<!tpu.dma_semaphore, #tpu.memory_space<semaphore_mem>>)
      %dma_wait3A_214 = arith.constant 0 : i32
      %dma_wait3A_215 = arith.constant 0 : i32
      %dma_wait3A_216 = tpu.memref_slice %arg4[%add3A, %dma_wait3A_214, %dma_wait3A_215] : memref<32x4x128xf32, #tpu.memory_space<hbm>> -> memref<1x4x128xf32, #tpu.memory_space<hbm>>
      %dma_wait3A_217 = tpu.memref_squeeze %dma_wait3A_216 : memref<1x4x128xf32, #tpu.memory_space<hbm>> -> memref<4x128xf32, #tpu.memory_space<hbm>>
      %dma_wait3A_218 = arith.constant 0 : i32
      %dma_wait3A_219 = arith.constant 0 : i32
      %dma_wait3A_220 = tpu.memref_slice %arg4[%add3A, %dma_wait3A_218, %dma_wait3A_219] : memref<32x4x128xf32, #tpu.memory_space<hbm>> -> memref<1x4x128xf32, #tpu.memory_space<hbm>>
      %dma_wait3A_221 = tpu.memref_squeeze %dma_wait3A_220 : memref<1x4x128xf32, #tpu.memory_space<hbm>> -> memref<4x128xf32, #tpu.memory_space<hbm>>
      tpu.wait_dma2 semaphore(%run_scoped3A : memref<!tpu.dma_semaphore, #tpu.memory_space<semaphore_mem>>) src(%arg6 : memref<4x128xf32, #tpu.memory_space<vmem>>) dst(%dma_wait3A_221 : memref<4x128xf32, #tpu.memory_space<hbm>>)
      tpu.yield
    }) : () -> ()
    return
  }
}

</mosaic_0001>

<sc_bundles>
// kernel: kernel.3.cloned.1.call-start
scs
__scs_entry_jumppad:
0x0: {  	(pc) =	sbr.rel $0x88, $3  }
0x1: {  	(tag) =	ssettag $0x0;
	lr =	simm.s32 $0x1  }
0x2: {  	[smem:$0x3F9F] =	sst lr;
	_ =	strace $0xD0000000  }
0x3: {  	_ = 	snop  }
0x4: {  	_ = 	snop  }
0x5: {  	_ = 	snop  }
0x6: {  	_ = 	snop  }
0x7: {  	_ = 	snop  }
__scs_overlays_trampoline_lowered:
0x8: {  	[smem:$0x3FAE] =	sst s0  }
0x9: {  	[smem:$0x3FAF] =	sst s1  }
0xa: {  	[smem:$0x3FB0] =	sst s2  }
0xb: {  	[smem:$0x3FB1] =	sst s3  }
0xc: {  	[smem:$0x3FB2] =	sst s4  }
0xd: {  	[smem:$0x3FB3] =	sst s5  }
0xe: {  	[smem:$0x3FB4] =	sst s6  }
0xf: {  	[smem:$0x3FB5] =	sst s7  }
0x10: {  	[smem:$0x3FB6] =	sst s8  }
0x11: {  	[smem:$0x3FB7] =	sst s9;
	s0 =	simm.s32 @!p0 $0x0  }
0x12: {  	s1 =	sld [smem:$0x3F9D];
	s0 =	simm.s32 @p0 $0x1  }
0x13: {  	[smem:$0x3FB8] =	sst s0;
	s0 =	simm.s32 @!p1 $0x0  }
0x14: {  	s2 =	sld [smem:$0x3F9C];
	s0 =	simm.s32 @p1 $0x1  }
0x15: {  	[smem:$0x3FB9] =	sst s0;
	s0 =	simm.s32 @!p2 $0x0  }
0x16: {  	s3 =	sld [smem:$0x3FDB];
	s0 =	simm.s32 @p2 $0x1  }
0x17: {  	s4 =	simm.s32 $0x1BF5;
	[smem:$0x3FBB] =	sst s0  }
0x18: {  	s0 =	sld [smem:$0x3F9E];
	_ =	swait.ge [sflag:s4], $0x0  }
0x19: {  	s7 =	sld [smem:$0x3F9F]  }
0x1a: {  	s8 =	sadd.s32 $0xFFFFE003, lr  }
0x1b: {  	s9 =	sadd.s32 $0xFFFFFEF7, lr;
	s5 =	simm.s32 $0xFFFFFFFF;
	p2 =	slt.u32 s8, $0xFFFFF086  }
0x1c: {  	p1 =	slt.u32 s9, $0xF7A;
	s5 =	simm.s32 @!p2 $0x0  }
0x1d: {  	s5 =	simm.s32 @p1 $0x1;
	p0 =	seq.s32 s7, s2  }
0x1e: {  	s7 =	smul.u32 @!p0 $0xF7A, s2;
	p2 =	seq.s32 @!p0 s5, $0x0  }
0x1f: {  	s9 =	smul.u32 $0xF7A, s1;
	s8 =	simm.s32 @!p0 $0x1BF5;
	p2 =	por !p2, p0  }
0x20: {  	[sflag:s8] =	ssyncset.s32 @!p0 $0xFFFFF086;
	s6 =	sadd.s32 @!p0 s3, s7;
	s7 =	simm.s32 @!p0 $0x108  }
0x21: {  	s3 =	sadd.s32 s3, s9;
	s6 =	sadd.s32 @!p0 $0x88, s6;
	s7 =	simm.s32 @p2 $0x1082  }
0x22: {  	[simem:s7], [sflag:s8] =	dma.local @!p0 [hbm:s6], $0xF7A  }
0x23: {  	s9 =	sor.u32 $0xD0000000, s2;
	s6 =	simm.s32 $0x108;
	_ =	swait.ge @!p0 [sflag:s8], $0x0  }
0x24: {  	s3 =	sadd.s32 $0x88, s3;
	s6 =	simm.s32 @!p1 $0x1082;
	[sflag:s4] =	ssyncset.s32 $0xFFFFF086  }
0x25: {  	[simem:s6], [sflag:s4] =	dma.local [hbm:s3], $0xF7A  }
0x26: {  	[smem:$0x3F9F] =	sst s1;
	(tag) =	ssettag s2;
	_ =	strace s9  }
0x27: {  	s1 =	sld [smem:$0x3FAF]  }
0x28: {  	s2 =	sld [smem:$0x3FB0]  }
0x29: {  	s4 =	sld [smem:$0x3FB2]  }
0x2a: {  	p0 =	seq.s32 s5, $0x0;
	s5 =	sld [smem:$0x3FB3]  }
0x2b: {  	s6 =	sld [smem:$0x3FB4]  }
0x2c: {  	s7 =	sld [smem:$0x3FB5]  }
0x2d: {  	s3 =	simm.s32 $0x108;
	s8 =	sld [smem:$0x3FB6]  }
0x2e: {  	s3 =	simm.s32 @!p0 $0x1082;
	s9 =	sld [smem:$0x3FB7]  }
0x2f: {  	lr =	sadd.s32 s0, s3;
	s0 =	sld [smem:$0x3FAE]  }
0x30: {  	s3 =	sld [smem:$0x3FB1]  }
0x31: {  	[smem:$0x3FBA] =	sst s10  }
0x32: {  	s10 =	sld [smem:$0x3FB8];
	_ =	sdelay $0x3  }
0x33: {  	p0 =	seq.s32 s10, $0x1;
	s10 =	sld [smem:$0x3FBA];
	_ =	sdelay $0x3  }
0x34: {  	[smem:$0x3FBA] =	sst s10  }
0x35: {  	s10 =	sld [smem:$0x3FB9];
	_ =	sdelay $0x3  }
0x36: {  	p1 =	seq.s32 s10, $0x1;
	s10 =	sld [smem:$0x3FBA];
	_ =	sdelay $0x3  }
0x37: {  	[smem:$0x3FBA] =	sst s10  }
0x38: {  	s10 =	sld [smem:$0x3FBB]  }
0x39: {  	_ = 	snop;
	(pc) =	sbr.ind lr, $3  }
0x3a: {  	_ = 	snop  }
0x3b: {  	_ = 	snop  }
0x3c: {  	p2 =	seq.s32 s10, $0x1;
	s10 =	sld [smem:$0x3FBA]  }
0x3d: {  	_ =	shalt  }
0x3e: {  	_ =	shalt  }
0x3f: {  	_ =	shalt  }
0x40: {  	_ =	shalt  }
0x41: {  	_ =	shalt  }
0x42: {  	_ =	shalt  }
0x43: {  	_ =	shalt  }
0x44: {  	_ =	shalt  }
0x45: {  	_ =	shalt  }
0x46: {  	_ =	shalt  }
0x47: {  	_ =	shalt  }
0x48: {  	_ =	shalt  }
0x49: {  	_ =	shalt  }
0x4a: {  	_ =	shalt  }
0x4b: {  	_ =	shalt  }
0x4c: {  	_ =	shalt  }
0x4d: {  	_ =	shalt  }
0x4e: {  	_ =	shalt  }
0x4f: {  	_ =	shalt  }
0x50: {  	_ =	shalt  }
0x51: {  	_ =	shalt  }
0x52: {  	_ =	shalt  }
0x53: {  	_ =	shalt  }
0x54: {  	_ =	shalt  }
0x55: {  	_ =	shalt  }
0x56: {  	_ =	shalt  }
0x57: {  	_ =	shalt  }
0x58: {  	_ =	shalt  }
0x59: {  	_ =	shalt  }
0x5a: {  	_ =	shalt  }
0x5b: {  	_ =	shalt  }
0x5c: {  	_ =	shalt  }
0x5d: {  	_ =	shalt  }
0x5e: {  	_ =	shalt  }
0x5f: {  	_ =	shalt  }
0x60: {  	_ =	shalt  }
0x61: {  	_ =	shalt  }
0x62: {  	_ =	shalt  }
0x63: {  	_ =	shalt  }
0x64: {  	_ =	shalt  }
0x65: {  	_ =	shalt  }
0x66: {  	_ =	shalt  }
0x67: {  	_ =	shalt  }
0x68: {  	_ =	shalt  }
0x69: {  	_ =	shalt  }
0x6a: {  	_ =	shalt  }
0x6b: {  	_ =	shalt  }
0x6c: {  	_ =	shalt  }
0x6d: {  	_ =	shalt  }
0x6e: {  	_ =	shalt  }
0x6f: {  	_ =	shalt  }
0x70: {  	_ =	shalt  }
0x71: {  	_ =	shalt  }
0x72: {  	_ =	shalt  }
0x73: {  	_ =	shalt  }
0x74: {  	_ =	shalt  }
0x75: {  	_ =	shalt  }
0x76: {  	_ =	shalt  }
0x77: {  	_ =	shalt  }
0x78: {  	_ =	shalt  }
0x79: {  	_ =	shalt  }
0x7a: {  	_ =	shalt  }
0x7b: {  	_ =	shalt  }
0x7c: {  	_ =	shalt  }
0x7d: {  	_ =	shalt  }
0x7e: {  	_ =	shalt  }
0x7f: {  	_ =	shalt  }
0x80: {  	_ =	shalt  }
0x81: {  	_ =	shalt  }
0x82: {  	_ =	shalt  }
0x83: {  	_ =	shalt  }
0x84: {  	_ =	shalt  }
0x85: {  	_ =	shalt  }
0x86: {  	_ =	shalt  }
0x87: {  	_ =	shalt  }
.Lfunc_end0:
.L_simem_size_0:
called_computation_lowered:
.L_overlay_start_0:
0x88: {  	s2 =	sld [smem:$0x3FD9]  }
0x89: {  	s3 =	sld [smem:$0x3FFE];
	_ =	sdelay $0x1  }
0x8a: {  	s1 =	srdreg.scid  }
0x8b: {  	s0 =	sand.u32 $0x1, s1  }
0x8c: {  	s18 =	sshll.u32 s0, $0xA;
	s2 =	sadd.s32 s3, s2  }
0x8d: {  	s2 =	sadd.s32 s2, s18  }
0x8e: {  	[smem:$0x3FC6] =	sst s2  }
0x8f: {  	_ = 	snop  }
0x90: {  	s2 =	sld [smem:$0x3FC9]  }
0x91: {  	s19 =	sld [smem:$0x3FC8]  }
0x92: {  	s4 =	sld [smem:$0x3FD0];
	(tm) =	ssettm $0x1  }
0x93: {  	s5 =	sld [smem:$0x3FFB];
	_ =	sdelay $0x3  }
0x94: {  	_ =	strace s5  }
0x95: {  	s5 =	sld [smem:$0x3FFC];
	_ =	sdelay $0x3  }
0x96: {  	_ =	strace s5  }
0x97: {  	s5 =	sld [smem:$0x3FFD];
	_ =	sdelay $0x3  }
0x98: {  	_ =	strace s5  }
0x99: {  	_ =	strace $0x8FFFFFFF  }
0x9a: {  	s20 =	sld [smem:$0x3FDB];
	_ =	sdelay $0x1  }
0x9b: {  	s6 =	simm.s32 $_scs_section_size  }
0x9c: {  	s7 =	simm.s32 $_size__tile_overlayer_lowered;
	s8 =	simm.s32 $_tile_overlayer_lowered  }
0x9d: {  	s23 =	simm.s32 $0x1BFF;
	s22 =	sshll.u32 s8, $0x1;
	s5 =	sadd.s32 s6, s20  }
0x9e: {  	s9 =	simm.s32 $0x0;
	s21 =	sshll.u32 s7, $0x1;
	s7 =	sadd.s32 s22, s5  }
0x9f: {  	[timem:s9], [sflag:s23] =	dma.local [hbm:s7], s21  }
0xa0: {  	_ =	swait.ge [sflag:s23], s21  }
0xa1: {  	s6 =	ssub.s32 $0x0, s21;
	[sflag:s23] =	ssyncset.done $0x0  }
0xa2: {  	[sflag:s23] =	ssyncadd.s32 s6;
	_ =	sdelay $0x1  }
0xa3: {  	s24 =	simm.s32 $0x1B8B  }
0xa4: {  	_ =	swait.ge [sflag:s24], $0x1  }
0xa5: {  	[sflag:s24] =	ssyncset.done $0x0  }
0xa6: {  	s25 =	simm.s32 $0x1B8E;
	[sflag:s24] =	ssyncadd.s32 $0xFFFFFFFF  }
0xa7: {  	s26 =	simm.s32 $execute0_lowered;
	[smem:$0x3FD2] =	sst s25  }
0xa8: {  	s6 =	sshll.u32 s26, $0x1;
	_ =	strace $0x80000046;
	[dreg:$0x1] =	wrdreg $0xFFFFFFFF  }
0xa9: {  	s28 =	simm.s32 $_size_execute0_lowered;
	s5 =	sadd.s32 s5, s6;
	[dreg:$0x0] =	wrdreg $0x0  }
0xaa: {  	s6 =	sshll.u32 s28, $0x1;
	[dreg:$0x2] =	wrdreg s5  }
0xab: {  	[dreg:$0x3] =	wrdreg s6  }
0xac: {  	[dreg:$0x4] =	wrdreg $0xC0  }
0xad: {  	_ =	task [dreg:s9], $0x5FFFF  }
0xae: {  	[dreg:$0x1] =	wrdreg $0xFFFFFFFF  }
0xaf: {  	[dreg:$0x0] =	wrdreg $0x60  }
0xb0: {  	[dreg:$0x2] =	wrdreg s2  }
0xb1: {  	[dreg:$0x3] =	wrdreg s19  }
0xb2: {  	[dreg:$0x4] =	wrdreg s4  }
0xb3: {  	[dreg:$0x5] =	wrdreg $0x9  }
0xb4: {  	_ =	task.clear_ibuf [dreg:s9], $0x6FFFF;
	_ =	strace $0x90000046  }
0xb5: {  	s29 =	simm.s32 $0x9;
	_ =	strace $0x80000048  }
0xb6: {  	_ =	swait.ge [sflag:s29], $0x1  }
0xb7: {  	[sflag:s29] =	ssyncadd.s32 $0xFFFFFFFF  }
0xb8: {  	_ =	strace $0x90000048  }
0xb9: {  	_ =	sfence  }
0xba: {  	s30 =	sld [smem:$0x0];
	_ =	sdelay $0x2  }
0xbb: {  	s31 =	sshll.u32 s1, $0xD;
	s1 =	sshrl.u32 s1, $0x2  }
0xbc: {  	s3 =	sand.u32 $0x4000, s31;
	s1 =	sadd.s32 s1, s30  }
0xbd: {  	s0 =	sor.u32 s3, s0;
	s1 =	sshll.u32 s1, $0x11  }
0xbe: {  	s0 =	sor.u32 s1, s0  }
0xbf: {  	s0 =	sadd.s32 $0x8F2B, s0  }
0xc0: {  	[sflag:s0] =	ssyncadd.remote.s32 $0x1  }
0xc1: {  	_ =	sfence.sel $0xFFFF  }
0xc2: {  	[dreg:$0x0] =	wrdreg $0xFFFFFFFF;
	(pc) =	sbr.abs _section_cstart, $3  }
0xc3: {  	[dreg:$0x1] =	wrdreg $0xFFFFFFFF  }
0xc4: {  	_ =	task.clear_ibuf [dreg:s9], $0x2FFFF;
	_ =	strace $0x9FFFFFFF  }
0xc5: {  	(tm) =	ssettm $0x7FFFFFFF  }
tec
execute0_lowered:
.L_overlay_start_1:
0x0: {  	(tag) =	ssettag $0x1  }
0x1: {  	s1 =	rddreg [dreg:$0x0]  }
0x2: {  	s0 =	rddreg [dreg:$0x1]  }
0x3: {  	s5 =	rddreg [dreg:$0x2]  }
0x4: {  	s2 =	srdreg.scid;
	s3 =	simm.s32 $0x0;
	s11 =	simm.s32 $0x2  }
0x5: {  	s12 =	simm.s32 $0x40;
	s13 =	simm.s32 $0x200;
	s14 =	simm.s32 $0x240  }
0x6: {  	s15 =	simm.s32 $0x80;
	s16 =	simm.s32 $0x280;
	s17 =	simm.s32 $0xC0  }
0x7: {  	s18 =	simm.s32 $0x2C0;
	s19 =	simm.s32 $0x100;
	s20 =	simm.s32 $0x300  }
0x8: {  	s21 =	simm.s32 $0x140;
	s22 =	simm.s32 $0x340;
	s23 =	simm.s32 $0x180  }
0x9: {  	s24 =	simm.s32 $0x380;
	s25 =	simm.s32 $0x1C0;
	s26 =	simm.s32 $0x3C0  }
0xa: {  	s28 =	simm.s32 $0x1;
	s29 =	simm.s32 $0x0;
	s6 =	sand.u32 $0x1, s2  }
0xb: {  	[smem:$0x7FF] =	sst s3;
	s2 =	stileid.u32;
	s4 =	ssub.s32 $0x2, s6  }
0xc: {  	s8 =	sshll.u32 s2, $0x7;
	s9 =	sshll.u32 s6, $0x6;
	_ =	strace $0x80000047  }
0xd: {  	s30 =	sshll.u32 s2, $0xD;
	s7 =	sshrl.u32 s4, $0x1;
	s8 =	sor.u32 s9, s8  }
0xe: {  	s31 =	sshll.u32 s6, $0xC;
	s7 =	ssub.s32 s4, s7;
	s4 =	sadd.s32 s0, s8  }
0xf: {  	s5 =	sadd.s32 s5, s8;
	s6 =	smax.u32 s7, $0x1;
	s7 =	sor.u32 s31, s30  }
0x10: {  	v0 =	vlaneseq.u32;
	s8 =	sor.u32 $0x400, s7;
	s9 =	sor.u32 $0x800, s7;
	s10 =	sor.u32 $0xC00, s7  }
.LBB2_1:
0x11: {  	[tilespmem:s3], [sflag:$0x2] =	stream.linear.gather [hbm4b:s4+s3], $0x200, $0x38;
	[tilespmem:$0x400] =	vst v63  }
0x12: {  	_ =	swait.ge [sflag:s11], $0x200  }
0x13: {  	[sflag:s11] =	ssyncset.done $0x0  }
0x14: {  	s31 =	simm.s32 $0x0;
	[sflag:s11] =	ssyncadd.s32 $0xFFFFFE00  }
0x15: {  	v1 =	vld [tilespmem:s31+$0x0];
	_ =	sdelay $0x4  }
0x16: {  	v2 =	vshll.u32 v1, $0x7  }
0x17: {  	v1 =	vshll.u32 v1, $0xE;
	v2 =	vand.u32 $0x380, v2  }
0x18: {  	v1 =	vand.u32 $0xFFFE0000, v1;
	v2 =	vor.u32 s7, v2  }
0x19: {  	v1 =	vor.u32 v1, v2  }
0x1a: {  	v1 =	vor.u32 v0, v1  }
0x1b: {  	s30 =	simm.s32 $0x10;
	s0 =	simm.s32 $0x80;
	[tilespmem:s31+$0x0] =	vst v1;
	s31 =	smov.u32 s7  }
.LBB2_2:
0x1c: {  	p0 =	sne.s32 s0, $0x1C0;
	v1 =	vld [tilespmem:s30+$0x0];
	_ =	sdelay $0x4  }
0x1d: {  	v2 =	vshll.u32 v1, $0x7  }
.Ltmp0:
0x1e: {  	s31 =	sadd.s32 $0x10, s31;
	v1 =	vshll.u32 v1, $0xE;
	v2 =	vand.u32 $0x380, v2;
	(pc) =	sbr.rel @p0 .LBB2_2-.Ltmp0, $4  }
0x1f: {  	v1 =	vand.u32 $0xFFFE0000, v1;
	v2 =	vor.u32 s31, v2  }
0x20: {  	v1 =	vor.u32 v1, v2  }
0x21: {  	v1 =	vor.u32 v0, v1  }
0x22: {  	[tilespmem:s30+$0x0] =	vst v1;
	s30 =	sshra.s32 s0, $0x2;
	s0 =	sadd.s32 $0x40, s0  }
0x23: {  	v1 =	vld [tilespmem:s30+$0x0];
	_ =	sdelay $0x4  }
0x24: {  	v2 =	vshll.u32 v1, $0x7  }
0x25: {  	s0 =	sadd.s32 $0x10, s31;
	v1 =	vshll.u32 v1, $0xE;
	v2 =	vand.u32 $0x380, v2  }
0x26: {  	v1 =	vand.u32 $0xFFFE0000, v1;
	v2 =	vor.u32 s0, v2  }
0x27: {  	v1 =	vor.u32 v1, v2  }
0x28: {  	v1 =	vor.u32 v0, v1  }
0x29: {  	s0 =	simm.s32 $0x0;
	[tilespmem:s30+$0x0] =	vst v1  }
0x2a: {  	[tilespmem:s13], [sflag:$0x1] =	stream.indirect.gather [hbm4b:s1+s12], $0x1, s0, s12, $0xb8;
	[tilespmem:$0x400] =	vst v63  }
0x2b: {  	s31 =	simm.s32 $0x0  }
0x2c: {  	[tilespmem:s14], [sflag:$0x1] =	stream.indirect.gather [hbm4b:s1+s12], $0x1, s12, s12, $0xb8;
	[tilespmem:$0x400] =	vst v63  }
0x2d: {  	v1 =	vld [tilespmem:s31+$0x80];
	_ =	sdelay $0x4  }
0x2e: {  	v2 =	vshll.u32 v1, $0x7  }
0x2f: {  	v1 =	vshll.u32 v1, $0xE;
	v2 =	vand.u32 $0x380, v2  }
0x30: {  	v1 =	vand.u32 $0xFFFE0000, v1;
	v2 =	vadd.s32 s8, v2  }
0x31: {  	v1 =	vadd.s32 v1, v2  }
0x32: {  	v1 =	vadd.s32 v0, v1  }
0x33: {  	s30 =	simm.s32 $0x10;
	s0 =	simm.s32 $0x80;
	[tilespmem:s31+$0x80] =	vst v1;
	s31 =	smov.u32 s8  }
.LBB2_4:
0x34: {  	p0 =	sne.s32 s0, $0x1C0;
	v1 =	vld [tilespmem:s30+$0x80];
	_ =	sdelay $0x4  }
0x35: {  	v2 =	vshll.u32 v1, $0x7  }
.Ltmp1:
0x36: {  	s31 =	sadd.s32 $0x10, s31;
	v1 =	vshll.u32 v1, $0xE;
	v2 =	vand.u32 $0x380, v2;
	(pc) =	sbr.rel @p0 .LBB2_4-.Ltmp1, $4  }
0x37: {  	v1 =	vand.u32 $0xFFFE0000, v1;
	v2 =	vadd.s32 s31, v2  }
0x38: {  	v1 =	vadd.s32 v1, v2  }
0x39: {  	v1 =	vadd.s32 v0, v1  }
0x3a: {  	[tilespmem:s30+$0x80] =	vst v1;
	s30 =	sshra.s32 s0, $0x2;
	s0 =	sadd.s32 $0x40, s0  }
0x3b: {  	v1 =	vld [tilespmem:s30+$0x80];
	_ =	sdelay $0x4  }
0x3c: {  	v2 =	vshll.u32 v1, $0x7  }
0x3d: {  	s0 =	sadd.s32 $0x10, s31;
	v1 =	vshll.u32 v1, $0xE;
	v2 =	vand.u32 $0x380, v2  }
0x3e: {  	v1 =	vand.u32 $0xFFFE0000, v1;
	v2 =	vadd.s32 s0, v2  }
0x3f: {  	v1 =	vadd.s32 v1, v2  }
0x40: {  	v1 =	vadd.s32 v0, v1  }
0x41: {  	[tilespmem:s30+$0x80] =	vst v1  }
0x42: {  	[tilespmem:s16], [sflag:$0x1] =	stream.indirect.gather [hbm4b:s1+s12], $0x1, s15, s12, $0xb8;
	[tilespmem:$0x400] =	vst v63  }
0x43: {  	s31 =	simm.s32 $0x0  }
0x44: {  	[tilespmem:s18], [sflag:$0x1] =	stream.indirect.gather [hbm4b:s1+s12], $0x1, s17, s12, $0xb8;
	[tilespmem:$0x400] =	vst v63  }
0x45: {  	v1 =	vld [tilespmem:s31+$0x100];
	_ =	sdelay $0x4  }
0x46: {  	v2 =	vshll.u32 v1, $0x7  }
0x47: {  	v1 =	vshll.u32 v1, $0xE;
	v2 =	vand.u32 $0x380, v2  }
0x48: {  	v1 =	vand.u32 $0xFFFE0000, v1;
	v2 =	vadd.s32 s9, v2  }
0x49: {  	v1 =	vadd.s32 v1, v2  }
0x4a: {  	v1 =	vadd.s32 v0, v1  }
0x4b: {  	s0 =	simm.s32 $0x80;
	s30 =	simm.s32 $0x10;
	[tilespmem:s31+$0x100] =	vst v1;
	s31 =	smov.u32 s9  }
.LBB2_6:
0x4c: {  	p0 =	sne.s32 s0, $0x1C0;
	v1 =	vld [tilespmem:s30+$0x100];
	_ =	sdelay $0x4  }
0x4d: {  	v2 =	vshll.u32 v1, $0x7  }
.Ltmp2:
0x4e: {  	s31 =	sadd.s32 $0x10, s31;
	v1 =	vshll.u32 v1, $0xE;
	v2 =	vand.u32 $0x380, v2;
	(pc) =	sbr.rel @p0 .LBB2_6-.Ltmp2, $4  }
0x4f: {  	v1 =	vand.u32 $0xFFFE0000, v1;
	v2 =	vadd.s32 s31, v2  }
0x50: {  	v1 =	vadd.s32 v1, v2  }
0x51: {  	v1 =	vadd.s32 v0, v1  }
0x52: {  	[tilespmem:s30+$0x100] =	vst v1;
	s30 =	sshra.s32 s0, $0x2;
	s0 =	sadd.s32 $0x40, s0  }
0x53: {  	v1 =	vld [tilespmem:s30+$0x100];
	_ =	sdelay $0x4  }
0x54: {  	v2 =	vshll.u32 v1, $0x7  }
0x55: {  	s0 =	sadd.s32 $0x10, s31;
	v1 =	vshll.u32 v1, $0xE;
	v2 =	vand.u32 $0x380, v2  }
0x56: {  	v1 =	vand.u32 $0xFFFE0000, v1;
	v2 =	vadd.s32 s0, v2  }
0x57: {  	v1 =	vadd.s32 v1, v2  }
0x58: {  	v1 =	vadd.s32 v0, v1  }
0x59: {  	[tilespmem:s30+$0x100] =	vst v1  }
0x5a: {  	[tilespmem:s20], [sflag:$0x1] =	stream.indirect.gather [hbm4b:s1+s12], $0x1, s19, s12, $0xb8;
	[tilespmem:$0x400] =	vst v63  }
0x5b: {  	s31 =	simm.s32 $0x0  }
0x5c: {  	[tilespmem:s22], [sflag:$0x1] =	stream.indirect.gather [hbm4b:s1+s12], $0x1, s21, s12, $0xb8;
	[tilespmem:$0x400] =	vst v63  }
0x5d: {  	v1 =	vld [tilespmem:s31+$0x180];
	_ =	sdelay $0x4  }
0x5e: {  	v2 =	vshll.u32 v1, $0x7  }
0x5f: {  	v1 =	vshll.u32 v1, $0xE;
	v2 =	vand.u32 $0x380, v2  }
0x60: {  	v1 =	vand.u32 $0xFFFE0000, v1;
	v2 =	vadd.s32 s10, v2  }
0x61: {  	v1 =	vadd.s32 v1, v2  }
0x62: {  	v1 =	vadd.s32 v0, v1  }
0x63: {  	s0 =	simm.s32 $0x80;
	s30 =	simm.s32 $0x10;
	[tilespmem:s31+$0x180] =	vst v1;
	s31 =	smov.u32 s10  }
.LBB2_8:
0x64: {  	p0 =	sne.s32 s0, $0x1C0;
	v1 =	vld [tilespmem:s30+$0x180];
	_ =	sdelay $0x4  }
0x65: {  	v2 =	vshll.u32 v1, $0x7  }
.Ltmp3:
0x66: {  	s31 =	sadd.s32 $0x10, s31;
	v1 =	vshll.u32 v1, $0xE;
	v2 =	vand.u32 $0x380, v2;
	(pc) =	sbr.rel @p0 .LBB2_8-.Ltmp3, $4  }
0x67: {  	v1 =	vand.u32 $0xFFFE0000, v1;
	v2 =	vadd.s32 s31, v2  }
0x68: {  	v1 =	vadd.s32 v1, v2  }
0x69: {  	v1 =	vadd.s32 v0, v1  }
0x6a: {  	[tilespmem:s30+$0x180] =	vst v1;
	s30 =	sshra.s32 s0, $0x2;
	s0 =	sadd.s32 $0x40, s0  }
0x6b: {  	v1 =	vld [tilespmem:s30+$0x180];
	_ =	sdelay $0x4  }
0x6c: {  	v2 =	vshll.u32 v1, $0x7  }
0x6d: {  	s0 =	sadd.s32 $0x10, s31;
	v1 =	vshll.u32 v1, $0xE;
	v2 =	vand.u32 $0x380, v2  }
0x6e: {  	v1 =	vand.u32 $0xFFFE0000, v1;
	v2 =	vadd.s32 s0, v2  }
0x6f: {  	v1 =	vadd.s32 v1, v2  }
0x70: {  	v1 =	vadd.s32 v0, v1  }
0x71: {  	[tilespmem:s30+$0x180] =	vst v1  }
0x72: {  	[tilespmem:s24], [sflag:$0x1] =	stream.indirect.gather [hbm4b:s1+s12], $0x1, s23, s12, $0xb8;
	[tilespmem:$0x400] =	vst v63  }
0x73: {  	_ = 	snop  }
0x74: {  	[tilespmem:s26], [sflag:$0x1] =	stream.indirect.gather [hbm4b:s1+s12], $0x1, s25, s12, $0xb8;
	[tilespmem:$0x400] =	vst v63  }
0x75: {  	_ =	swait.ge [sflag:s28], $0x40  }
0x76: {  	[sflag:s28] =	ssyncset.done $0x0  }
0x77: {  	[sflag:s28] =	ssyncadd.s32 $0xFFFFFFC0  }
0x78: {  	_ =	swait.ge [sflag:s28], $0x40  }
0x79: {  	[sflag:s28] =	ssyncset.done $0x0  }
0x7a: {  	[sflag:s28] =	ssyncadd.s32 $0xFFFFFFC0  }
0x7b: {  	_ =	swait.ge [sflag:s28], $0x40  }
0x7c: {  	[sflag:s28] =	ssyncset.done $0x0  }
0x7d: {  	[sflag:s28] =	ssyncadd.s32 $0xFFFFFFC0  }
0x7e: {  	_ =	swait.ge [sflag:s28], $0x40  }
0x7f: {  	[sflag:s28] =	ssyncset.done $0x0  }
0x80: {  	[sflag:s28] =	ssyncadd.s32 $0xFFFFFFC0  }
0x81: {  	_ =	swait.ge [sflag:s28], $0x40  }
0x82: {  	[sflag:s28] =	ssyncset.done $0x0  }
0x83: {  	[sflag:s28] =	ssyncadd.s32 $0xFFFFFFC0  }
0x84: {  	_ =	swait.ge [sflag:s28], $0x40  }
0x85: {  	[sflag:s28] =	ssyncset.done $0x0  }
0x86: {  	[sflag:s28] =	ssyncadd.s32 $0xFFFFFFC0  }
0x87: {  	_ =	swait.ge [sflag:s28], $0x40  }
0x88: {  	[sflag:s28] =	ssyncset.done $0x0  }
0x89: {  	[sflag:s28] =	ssyncadd.s32 $0xFFFFFFC0  }
0x8a: {  	s29 =	sadd.s32 $0x1, s29;
	_ =	swait.ge [sflag:s28], $0x40  }
0x8b: {  	p0 =	sne.s32 s29, s6;
	[sflag:s28] =	ssyncset.done $0x0  }
.Ltmp4:
0x8c: {  	[sflag:s28] =	ssyncadd.s32 $0xFFFFFFC0;
	(pc) =	sbr.rel @p0 .LBB2_1-.Ltmp4, $4  }
0x8d: {  	[hbm4b:s5+s3] =	stream.linear.scatter [tilespmem:s13], [sflag:$0x2], $0x200, $0x38;
	[tilespmem:$0x400] =	vst v63  }
0x8e: {  	_ =	swait.ge [sflag:s11], $0x200  }
0x8f: {  	[sflag:s11] =	ssyncset.done $0x0  }
0x90: {  	[sflag:s11] =	ssyncadd.s32 $0xFFFFFE00  }
0x91: {  	_ =	sfence.sel $0x180000  }
0x92: {  	[bflag:$0x0] =	sbarrier.arrive $0xFFFF  }
0x93: {  	_ =	strace $0x90000047  }
0x94: {  	[bflag:$0x2] =	sbarrier.arrive $0xFFFF  }
0x95: {  	p0 =	sne.s32 s2, $0x0;
	s0 =	rddreg [dreg:$0x3]  }
0x96: {  	s0 =	sadd.s32 @!p0 $0x100000, s0  }
0x97: {  	[sflag:s0] =	ssyncadd.tile.s32 @!p0 $0x1;
	_ =	shalt  }
.Lfunc_end2:
_tile_overlayer_lowered:
.L_overlay_start_2:
0x98: {  	(tag) =	ssettag $0x2  }
0x99: {  	s0 =	rddreg [dreg:$0x0];
	s2 =	stileid.u32  }
0x9a: {  	s1 =	rddreg [dreg:$0x1];
	p0 =	sne.s32 s2, $0x0  }
0x9b: {  	s3 =	rddreg [dreg:$0x2];
	[bflag:$0x3] =	sbarrier.arrive $0xFFFF;
	s2 =	simm.s32 @!p0 $0x1C02  }
0x9c: {  	[timem:s3], [sflag:s2] =	dma.local @!p0 [hbm:s0], s1  }
0x9d: {  	s0 =	simm.s32 @!p0 $0x2  }
0x9e: {  	_ =	swait.ge @!p0 [sflag:s0], s1  }
0x9f: {  	s1 =	ssub.s32 @!p0 $0x0, s1;
	[sflag:s0] =	ssyncset.done @!p0 $0x0  }
0xa0: {  	[sflag:s0] =	ssyncadd.s32 @!p0 s1  }
0xa1: {  	[bflag:$0x3] =	sbarrier.arrive $0xFFFF  }
0xa2: {  	_ =	shalt  }

</sc_bundles>
